<compile_context>
chip_gen: v7x
topology: tpu7x:2x2x1
jax: 0.10.2.dev20260603
libtpu: 0.0.44.dev20260713+nightly
codegen_flags: <defaults>
</compile_context>

<pallas_src>
import functools

import jax
import jax.numpy as jnp
from jax import lax
from jax.experimental import pallas as pl
from jax.experimental.pallas import tpu as pltpu
from jax.experimental.pallas import tpu_sc as plsc

D = 128
CH = 128
NBUF = 5


@functools.lru_cache(maxsize=None)
def _build(B, V):
    mesh = plsc.VectorSubcoreMesh(core_axis_name="c", subcore_axis_name="s")
    nw = mesh.num_cores * mesh.num_subcores
    b_per_w = B // nw
    n_chunks = b_per_w // CH
    n_groups = n_chunks // NBUF

    @functools.partial(
        pl.kernel,
        out_type=jax.ShapeDtypeStruct((B, D), jnp.float32),
        mesh=mesh,
        scratch_types=[
            pltpu.VMEM((b_per_w,), jnp.int32),
            [pltpu.VMEM((CH, D), jnp.float32)] * NBUF,
            [pltpu.SemaphoreType.DMA] * NBUF,
            [pltpu.SemaphoreType.DMA] * NBUF,
        ],
    )
    def grab(idx_hbm, table_hbm, out_hbm, idx_v, rows, gsems, osems):
        wid = lax.axis_index("s") * mesh.num_cores + lax.axis_index("c")
        base = wid * b_per_w
        pltpu.sync_copy(idx_hbm.at[pl.ds(base, b_per_w)], idx_v)

        def start_gather(i, b):
            pltpu.async_copy(
                table_hbm.at[idx_v.at[pl.ds(i * CH, CH)]], rows[b], gsems[b]
            )

        def wait_gather(b):
            pltpu.make_async_copy(
                table_hbm.at[idx_v.at[pl.ds(0, CH)]], rows[b], gsems[b]
            ).wait()

        def start_out(i, b):
            pltpu.async_copy(rows[b], out_hbm.at[pl.ds(base + i * CH, CH)], osems[b])

        def wait_out(b):
            pltpu.make_async_copy(
                rows[b], out_hbm.at[pl.ds(base, CH)], osems[b]
            ).wait()

        for b in range(NBUF):
            start_gather(b, b)

        def body(g, carry):
            i0 = g * NBUF
            for b in range(NBUF):
                wait_gather(b)
                start_out(i0 + b, b)
                wait_out(b)
                start_gather(i0 + b + NBUF, b)
            return carry

        lax.fori_loop(0, n_groups - 1, body, 0)

        i0 = (n_groups - 1) * NBUF
        for b in range(NBUF):
            wait_gather(b)
            start_out(i0 + b, b)
            wait_out(b)

    return grab


def kernel(input, weight):
    batch, seq = input.shape
    vocab, d = weight.shape
    idx = input.reshape(-1).astype(jnp.int32)
    out = _build(idx.shape[0], vocab)(idx, weight)
    return out.reshape(batch, seq, d)

# --- scband reference (transcript-rebuilt; emitter-appended) ---
"""Pipeline reference for scband-token-embedding-21629455302974 (READ-ONLY COPY).

The authoritative reference and input builder live on the scoring server;
editing this copy changes nothing except your own understanding.
"""

import jax, jax.numpy as jnp
import numpy as np

VOCAB = 100000
HIDDEN = 128
BATCH = 4096
SEQ = 200

def setup_inputs(seed: int = 0) -> dict:
    key = jax.random.key(seed)
    k_idx, k_w = jax.random.split(key)
    indices = jax.random.randint(k_idx, (BATCH, SEQ), 0, VOCAB, dtype=jnp.int64 if jax.config.jax_enable_x64 else jnp.int32)
    weight = jax.random.normal(k_w, (VOCAB, HIDDEN), dtype=jnp.float32)
    return {"input": indices, "weight": weight}

def reference(input, weight):
    # nn.Embedding forward: row gather from the embedding table
    return jnp.take(weight, input, axis=0)

if __name__ == "__main__":
    import jax
    _d = setup_inputs()
    print(jax.jit(kernel)(*tuple(_d.values())))

</pallas_src>

<mosaic_0001>
#map = affine_map<(d0, d1) -> (0)>
#map1 = affine_map<(d0, d1) -> (0, 0)>
module attributes {stable_mosaic.version = 14 : i64} {
  func.func @grab(%arg0: i32, %arg1: i32, %arg2: memref<819200xi32, #tpu.memory_space<hbm>>, %arg3: memref<100000x128xf32, #tpu.memory_space<hbm>>, %arg4: memref<819200x128xf32, #tpu.memory_space<hbm>>, %arg5: memref<25600xi32, #tpu.memory_space<vmem>>, %arg6: memref<128x128xf32, #tpu.memory_space<vmem>>, %arg7: memref<128x128xf32, #tpu.memory_space<vmem>>, %arg8: memref<128x128xf32, #tpu.memory_space<vmem>>, %arg9: memref<128x128xf32, #tpu.memory_space<vmem>>, %arg10: memref<128x128xf32, #tpu.memory_space<vmem>>, %arg11: memref<!tpu.dma_semaphore, #tpu.memory_space<semaphore_mem>>, %arg12: memref<!tpu.dma_semaphore, #tpu.memory_space<semaphore_mem>>, %arg13: memref<!tpu.dma_semaphore, #tpu.memory_space<semaphore_mem>>, %arg14: memref<!tpu.dma_semaphore, #tpu.memory_space<semaphore_mem>>, %arg15: memref<!tpu.dma_semaphore, #tpu.memory_space<semaphore_mem>>, %arg16: memref<!tpu.dma_semaphore, #tpu.memory_space<semaphore_mem>>, %arg17: memref<!tpu.dma_semaphore, #tpu.memory_space<semaphore_mem>>, %arg18: memref<!tpu.dma_semaphore, #tpu.memory_space<semaphore_mem>>, %arg19: memref<!tpu.dma_semaphore, #tpu.memory_space<semaphore_mem>>, %arg20: memref<!tpu.dma_semaphore, #tpu.memory_space<semaphore_mem>>) attributes {dimension_semantics = [#tpu.dimension_semantics<core_parallel>, #tpu.dimension_semantics<subcore_parallel>], iteration_bounds = array<i64: 2, 16>, scalar_prefetch = 0 : i64, scratch_operands = 16 : i64, tpu.core_type = #tpu.core_type<sc_vector_subcore>, window_params = [{transform_indices = #map}, {transform_indices = #map1}, {transform_indices = #map1}]} {
    %mul3A = arith.constant 2 : i32
    %mul3A_0 = arith.muli %arg1, %mul3A : i32
    %add3A = arith.addi %mul3A_0, %arg0 : i32
    %mul3A_1 = arith.constant 25600 : i32
    %mul3A_2 = arith.muli %add3A, %mul3A_1 : i32
    "tpu.region"() ({
      %run_scoped3A = tpu.sem_alloc : memref<!tpu.dma_semaphore, #tpu.memory_space<semaphore_mem>>
      %dma_start3A_106 = tpu.memref_slice %arg2[%mul3A_2] : memref<819200xi32, #tpu.memory_space<hbm>> -> memref<25600xi32, #tpu.memory_space<hbm>>
      %dma_start3A_107 = tpu.memref_slice %arg2[%mul3A_2] : memref<819200xi32, #tpu.memory_space<hbm>> -> memref<25600xi32, #tpu.memory_space<hbm>>
      tpu.enqueue_dma source(%dma_start3A_107 : memref<25600xi32, #tpu.memory_space<hbm>>) target(%arg5 : memref<25600xi32, #tpu.memory_space<vmem>>) target_semaphore(%run_scoped3A : memref<!tpu.dma_semaphore, #tpu.memory_space<semaphore_mem>>)
      %dma_wait3A_108 = tpu.memref_slice %arg2[%mul3A_2] : memref<819200xi32, #tpu.memory_space<hbm>> -> memref<25600xi32, #tpu.memory_space<hbm>>
      %dma_wait3A_109 = tpu.memref_slice %arg2[%mul3A_2] : memref<819200xi32, #tpu.memory_space<hbm>> -> memref<25600xi32, #tpu.memory_space<hbm>>
      tpu.wait_dma2 semaphore(%run_scoped3A : memref<!tpu.dma_semaphore, #tpu.memory_space<semaphore_mem>>) src(%dma_wait3A_109 : memref<25600xi32, #tpu.memory_space<hbm>>) dst(%arg5 : memref<25600xi32, #tpu.memory_space<vmem>>)
      tpu.yield
    }) : () -> ()
    %dma_start3A = arith.constant 0 : i32
    %dma_start3A_3 = tpu.memref_slice %arg5[%dma_start3A] : memref<25600xi32, #tpu.memory_space<vmem>> -> memref<128xi32, #tpu.memory_space<vmem>>
    %dma_start3A_4 = arith.constant 0 : i32
    %dma_start3A_5 = arith.constant 0 : i32
    %dma_start3A_6 = tpu.memref_slice %arg3[%dma_start3A_4, %dma_start3A_5] : memref<100000x128xf32, #tpu.memory_space<hbm>> -> memref<100000x128xf32, #tpu.memory_space<hbm>>
    tpu.enqueue_indirect_dma source(%dma_start3A_6 : memref<100000x128xf32, #tpu.memory_space<hbm>>) target(%arg6 : memref<128x128xf32, #tpu.memory_space<vmem>>) offsets(%dma_start3A_3 : memref<128xi32, #tpu.memory_space<vmem>>) semaphore(%arg11 : memref<!tpu.dma_semaphore, #tpu.memory_space<semaphore_mem>>)
    %dma_start3A_7 = arith.constant 128 : i32
    %dma_start3A_8 = tpu.memref_slice %arg5[%dma_start3A_7] : memref<25600xi32, #tpu.memory_space<vmem>> -> memref<128xi32, #tpu.memory_space<vmem>>
    %dma_start3A_9 = arith.constant 0 : i32
    %dma_start3A_10 = arith.constant 0 : i32
    %dma_start3A_11 = tpu.memref_slice %arg3[%dma_start3A_9, %dma_start3A_10] : memref<100000x128xf32, #tpu.memory_space<hbm>> -> memref<100000x128xf32, #tpu.memory_space<hbm>>
    tpu.enqueue_indirect_dma source(%dma_start3A_11 : memref<100000x128xf32, #tpu.memory_space<hbm>>) target(%arg7 : memref<128x128xf32, #tpu.memory_space<vmem>>) offsets(%dma_start3A_8 : memref<128xi32, #tpu.memory_space<vmem>>) semaphore(%arg12 : memref<!tpu.dma_semaphore, #tpu.memory_space<semaphore_mem>>)
    %dma_start3A_12 = arith.constant 256 : i32
    %dma_start3A_13 = tpu.memref_slice %arg5[%dma_start3A_12] : memref<25600xi32, #tpu.memory_space<vmem>> -> memref<128xi32, #tpu.memory_space<vmem>>
    %dma_start3A_14 = arith.constant 0 : i32
    %dma_start3A_15 = arith.constant 0 : i32
    %dma_start3A_16 = tpu.memref_slice %arg3[%dma_start3A_14, %dma_start3A_15] : memref<100000x128xf32, #tpu.memory_space<hbm>> -> memref<100000x128xf32, #tpu.memory_space<hbm>>
    tpu.enqueue_indirect_dma source(%dma_start3A_16 : memref<100000x128xf32, #tpu.memory_space<hbm>>) target(%arg8 : memref<128x128xf32, #tpu.memory_space<vmem>>) offsets(%dma_start3A_13 : memref<128xi32, #tpu.memory_space<vmem>>) semaphore(%arg13 : memref<!tpu.dma_semaphore, #tpu.memory_space<semaphore_mem>>)
    %dma_start3A_17 = arith.constant 384 : i32
    %dma_start3A_18 = tpu.memref_slice %arg5[%dma_start3A_17] : memref<25600xi32, #tpu.memory_space<vmem>> -> memref<128xi32, #tpu.memory_space<vmem>>
    %dma_start3A_19 = arith.constant 0 : i32
    %dma_start3A_20 = arith.constant 0 : i32
    %dma_start3A_21 = tpu.memref_slice %arg3[%dma_start3A_19, %dma_start3A_20] : memref<100000x128xf32, #tpu.memory_space<hbm>> -> memref<100000x128xf32, #tpu.memory_space<hbm>>
    tpu.enqueue_indirect_dma source(%dma_start3A_21 : memref<100000x128xf32, #tpu.memory_space<hbm>>) target(%arg9 : memref<128x128xf32, #tpu.memory_space<vmem>>) offsets(%dma_start3A_18 : memref<128xi32, #tpu.memory_space<vmem>>) semaphore(%arg14 : memref<!tpu.dma_semaphore, #tpu.memory_space<semaphore_mem>>)
    %dma_start3A_22 = arith.constant 512 : i32
    %dma_start3A_23 = tpu.memref_slice %arg5[%dma_start3A_22] : memref<25600xi32, #tpu.memory_space<vmem>> -> memref<128xi32, #tpu.memory_space<vmem>>
    %dma_start3A_24 = arith.constant 0 : i32
    %dma_start3A_25 = arith.constant 0 : i32
    %dma_start3A_26 = tpu.memref_slice %arg3[%dma_start3A_24, %dma_start3A_25] : memref<100000x128xf32, #tpu.memory_space<hbm>> -> memref<100000x128xf32, #tpu.memory_space<hbm>>
    tpu.enqueue_indirect_dma source(%dma_start3A_26 : memref<100000x128xf32, #tpu.memory_space<hbm>>) target(%arg10 : memref<128x128xf32, #tpu.memory_space<vmem>>) offsets(%dma_start3A_23 : memref<128xi32, #tpu.memory_space<vmem>>) semaphore(%arg15 : memref<!tpu.dma_semaphore, #tpu.memory_space<semaphore_mem>>)
    %scan3A = arith.constant 0 : i32
    %scan3A_27 = arith.constant 0 : i32
    %scan3A_28 = arith.constant 39 : i32
    %scan3A_29 = arith.addi %scan3A_27, %scan3A_28 : i32
    %scan3A_30 = arith.constant 1 : i32
    scf.for %scan3A_106 = %scan3A_27 to %scan3A_29 step %scan3A_30  : i32 {
      %mul3A_107 = arith.constant 5 : i32
      %mul3A_108 = arith.muli %scan3A_106, %mul3A_107 : i32
      %dma_wait3A_109 = arith.constant 0 : i32
      %dma_wait3A_110 = tpu.memref_slice %arg5[%dma_wait3A_109] : memref<25600xi32, #tpu.memory_space<vmem>> -> memref<128xi32, #tpu.memory_space<vmem>>
      %dma_wait3A_111 = arith.constant 0 : i32
      %dma_wait3A_112 = arith.constant 0 : i32
      %dma_wait3A_113 = tpu.memref_slice %arg3[%dma_wait3A_111, %dma_wait3A_112] : memref<100000x128xf32, #tpu.memory_space<hbm>> -> memref<100000x128xf32, #tpu.memory_space<hbm>>
      tpu.wait_indirect_dma semaphore(%arg11 : memref<!tpu.dma_semaphore, #tpu.memory_space<semaphore_mem>>) src(%dma_wait3A_113 : memref<100000x128xf32, #tpu.memory_space<hbm>>) dst(%arg6 : memref<128x128xf32, #tpu.memory_space<vmem>>)
      %add3A_114 = arith.constant 0 : i32
      %add3A_115 = arith.addi %mul3A_108, %add3A_114 : i32
      %mul3A_116 = arith.constant 128 : i32
      %mul3A_117 = arith.muli %add3A_115, %mul3A_116 : i32
      %add3A_118 = arith.addi %mul3A_2, %mul3A_117 : i32
      %dma_start3A_119 = arith.constant 0 : i32
      %dma_start3A_120 = tpu.memref_slice %arg4[%add3A_118, %dma_start3A_119] : memref<819200x128xf32, #tpu.memory_space<hbm>> -> memref<128x128xf32, #tpu.memory_space<hbm>>
      %dma_start3A_121 = arith.constant 0 : i32
      %dma_start3A_122 = tpu.memref_slice %arg4[%add3A_118, %dma_start3A_121] : memref<819200x128xf32, #tpu.memory_space<hbm>> -> memref<128x128xf32, #tpu.memory_space<hbm>>
      tpu.enqueue_dma source(%arg6 : memref<128x128xf32, #tpu.memory_space<vmem>>) target(%dma_start3A_122 : memref<128x128xf32, #tpu.memory_space<hbm>>) target_semaphore(%arg16 : memref<!tpu.dma_semaphore, #tpu.memory_space<semaphore_mem>>)
      %dma_wait3A_123 = arith.constant 0 : i32
      %dma_wait3A_124 = tpu.memref_slice %arg4[%mul3A_2, %dma_wait3A_123] : memref<819200x128xf32, #tpu.memory_space<hbm>> -> memref<128x128xf32, #tpu.memory_space<hbm>>
      %dma_wait3A_125 = arith.constant 0 : i32
      %dma_wait3A_126 = tpu.memref_slice %arg4[%mul3A_2, %dma_wait3A_125] : memref<819200x128xf32, #tpu.memory_space<hbm>> -> memref<128x128xf32, #tpu.memory_space<hbm>>
      tpu.wait_dma2 semaphore(%arg16 : memref<!tpu.dma_semaphore, #tpu.memory_space<semaphore_mem>>) src(%arg6 : memref<128x128xf32, #tpu.memory_space<vmem>>) dst(%dma_wait3A_126 : memref<128x128xf32, #tpu.memory_space<hbm>>)
      %add3A_127 = arith.constant 0 : i32
      %add3A_128 = arith.addi %mul3A_108, %add3A_127 : i32
      %add3A_129 = arith.constant 5 : i32
      %add3A_130 = arith.addi %add3A_128, %add3A_129 : i32
      %mul3A_131 = arith.constant 128 : i32
      %mul3A_132 = arith.muli %add3A_130, %mul3A_131 : i32
      %dma_start3A_133 = tpu.memref_slice %arg5[%mul3A_132] : memref<25600xi32, #tpu.memory_space<vmem>> -> memref<128xi32, #tpu.memory_space<vmem>>
      %dma_start3A_134 = arith.constant 0 : i32
      %dma_start3A_135 = arith.constant 0 : i32
      %dma_start3A_136 = tpu.memref_slice %arg3[%dma_start3A_134, %dma_start3A_135] : memref<100000x128xf32, #tpu.memory_space<hbm>> -> memref<100000x128xf32, #tpu.memory_space<hbm>>
      tpu.enqueue_indirect_dma source(%dma_start3A_136 : memref<100000x128xf32, #tpu.memory_space<hbm>>) target(%arg6 : memref<128x128xf32, #tpu.memory_space<vmem>>) offsets(%dma_start3A_133 : memref<128xi32, #tpu.memory_space<vmem>>) semaphore(%arg11 : memref<!tpu.dma_semaphore, #tpu.memory_space<semaphore_mem>>)
      %dma_wait3A_137 = arith.constant 0 : i32
      %dma_wait3A_138 = tpu.memref_slice %arg5[%dma_wait3A_137] : memref<25600xi32, #tpu.memory_space<vmem>> -> memref<128xi32, #tpu.memory_space<vmem>>
      %dma_wait3A_139 = arith.constant 0 : i32
      %dma_wait3A_140 = arith.constant 0 : i32
      %dma_wait3A_141 = tpu.memref_slice %arg3[%dma_wait3A_139, %dma_wait3A_140] : memref<100000x128xf32, #tpu.memory_space<hbm>> -> memref<100000x128xf32, #tpu.memory_space<hbm>>
      tpu.wait_indirect_dma semaphore(%arg12 : memref<!tpu.dma_semaphore, #tpu.memory_space<semaphore_mem>>) src(%dma_wait3A_141 : memref<100000x128xf32, #tpu.memory_space<hbm>>) dst(%arg7 : memref<128x128xf32, #tpu.memory_space<vmem>>)
      %add3A_142 = arith.constant 1 : i32
      %add3A_143 = arith.addi %mul3A_108, %add3A_142 : i32
      %mul3A_144 = arith.constant 128 : i32
      %mul3A_145 = arith.muli %add3A_143, %mul3A_144 : i32
      %add3A_146 = arith.addi %mul3A_2, %mul3A_145 : i32
      %dma_start3A_147 = arith.constant 0 : i32
      %dma_start3A_148 = tpu.memref_slice %arg4[%add3A_146, %dma_start3A_147] : memref<819200x128xf32, #tpu.memory_space<hbm>> -> memref<128x128xf32, #tpu.memory_space<hbm>>
      %dma_start3A_149 = arith.constant 0 : i32
      %dma_start3A_150 = tpu.memref_slice %arg4[%add3A_146, %dma_start3A_149] : memref<819200x128xf32, #tpu.memory_space<hbm>> -> memref<128x128xf32, #tpu.memory_space<hbm>>
      tpu.enqueue_dma source(%arg7 : memref<128x128xf32, #tpu.memory_space<vmem>>) target(%dma_start3A_150 : memref<128x128xf32, #tpu.memory_space<hbm>>) target_semaphore(%arg17 : memref<!tpu.dma_semaphore, #tpu.memory_space<semaphore_mem>>)
      %dma_wait3A_151 = arith.constant 0 : i32
      %dma_wait3A_152 = tpu.memref_slice %arg4[%mul3A_2, %dma_wait3A_151] : memref<819200x128xf32, #tpu.memory_space<hbm>> -> memref<128x128xf32, #tpu.memory_space<hbm>>
      %dma_wait3A_153 = arith.constant 0 : i32
      %dma_wait3A_154 = tpu.memref_slice %arg4[%mul3A_2, %dma_wait3A_153] : memref<819200x128xf32, #tpu.memory_space<hbm>> -> memref<128x128xf32, #tpu.memory_space<hbm>>
      tpu.wait_dma2 semaphore(%arg17 : memref<!tpu.dma_semaphore, #tpu.memory_space<semaphore_mem>>) src(%arg7 : memref<128x128xf32, #tpu.memory_space<vmem>>) dst(%dma_wait3A_154 : memref<128x128xf32, #tpu.memory_space<hbm>>)
      %add3A_155 = arith.constant 1 : i32
      %add3A_156 = arith.addi %mul3A_108, %add3A_155 : i32
      %add3A_157 = arith.constant 5 : i32
      %add3A_158 = arith.addi %add3A_156, %add3A_157 : i32
      %mul3A_159 = arith.constant 128 : i32
      %mul3A_160 = arith.muli %add3A_158, %mul3A_159 : i32
      %dma_start3A_161 = tpu.memref_slice %arg5[%mul3A_160] : memref<25600xi32, #tpu.memory_space<vmem>> -> memref<128xi32, #tpu.memory_space<vmem>>
      %dma_start3A_162 = arith.constant 0 : i32
      %dma_start3A_163 = arith.constant 0 : i32
      %dma_start3A_164 = tpu.memref_slice %arg3[%dma_start3A_162, %dma_start3A_163] : memref<100000x128xf32, #tpu.memory_space<hbm>> -> memref<100000x128xf32, #tpu.memory_space<hbm>>
      tpu.enqueue_indirect_dma source(%dma_start3A_164 : memref<100000x128xf32, #tpu.memory_space<hbm>>) target(%arg7 : memref<128x128xf32, #tpu.memory_space<vmem>>) offsets(%dma_start3A_161 : memref<128xi32, #tpu.memory_space<vmem>>) semaphore(%arg12 : memref<!tpu.dma_semaphore, #tpu.memory_space<semaphore_mem>>)
      %dma_wait3A_165 = arith.constant 0 : i32
      %dma_wait3A_166 = tpu.memref_slice %arg5[%dma_wait3A_165] : memref<25600xi32, #tpu.memory_space<vmem>> -> memref<128xi32, #tpu.memory_space<vmem>>
      %dma_wait3A_167 = arith.constant 0 : i32
      %dma_wait3A_168 = arith.constant 0 : i32
      %dma_wait3A_169 = tpu.memref_slice %arg3[%dma_wait3A_167, %dma_wait3A_168] : memref<100000x128xf32, #tpu.memory_space<hbm>> -> memref<100000x128xf32, #tpu.memory_space<hbm>>
      tpu.wait_indirect_dma semaphore(%arg13 : memref<!tpu.dma_semaphore, #tpu.memory_space<semaphore_mem>>) src(%dma_wait3A_169 : memref<100000x128xf32, #tpu.memory_space<hbm>>) dst(%arg8 : memref<128x128xf32, #tpu.memory_space<vmem>>)
      %add3A_170 = arith.constant 2 : i32
      %add3A_171 = arith.addi %mul3A_108, %add3A_170 : i32
      %mul3A_172 = arith.constant 128 : i32
      %mul3A_173 = arith.muli %add3A_171, %mul3A_172 : i32
      %add3A_174 = arith.addi %mul3A_2, %mul3A_173 : i32
      %dma_start3A_175 = arith.constant 0 : i32
      %dma_start3A_176 = tpu.memref_slice %arg4[%add3A_174, %dma_start3A_175] : memref<819200x128xf32, #tpu.memory_space<hbm>> -> memref<128x128xf32, #tpu.memory_space<hbm>>
      %dma_start3A_177 = arith.constant 0 : i32
      %dma_start3A_178 = tpu.memref_slice %arg4[%add3A_174, %dma_start3A_177] : memref<819200x128xf32, #tpu.memory_space<hbm>> -> memref<128x128xf32, #tpu.memory_space<hbm>>
      tpu.enqueue_dma source(%arg8 : memref<128x128xf32, #tpu.memory_space<vmem>>) target(%dma_start3A_178 : memref<128x128xf32, #tpu.memory_space<hbm>>) target_semaphore(%arg18 : memref<!tpu.dma_semaphore, #tpu.memory_space<semaphore_mem>>)
      %dma_wait3A_179 = arith.constant 0 : i32
      %dma_wait3A_180 = tpu.memref_slice %arg4[%mul3A_2, %dma_wait3A_179] : memref<819200x128xf32, #tpu.memory_space<hbm>> -> memref<128x128xf32, #tpu.memory_space<hbm>>
      %dma_wait3A_181 = arith.constant 0 : i32
      %dma_wait3A_182 = tpu.memref_slice %arg4[%mul3A_2, %dma_wait3A_181] : memref<819200x128xf32, #tpu.memory_space<hbm>> -> memref<128x128xf32, #tpu.memory_space<hbm>>
      tpu.wait_dma2 semaphore(%arg18 : memref<!tpu.dma_semaphore, #tpu.memory_space<semaphore_mem>>) src(%arg8 : memref<128x128xf32, #tpu.memory_space<vmem>>) dst(%dma_wait3A_182 : memref<128x128xf32, #tpu.memory_space<hbm>>)
      %add3A_183 = arith.constant 2 : i32
      %add3A_184 = arith.addi %mul3A_108, %add3A_183 : i32
      %add3A_185 = arith.constant 5 : i32
      %add3A_186 = arith.addi %add3A_184, %add3A_185 : i32
      %mul3A_187 = arith.constant 128 : i32
      %mul3A_188 = arith.muli %add3A_186, %mul3A_187 : i32
      %dma_start3A_189 = tpu.memref_slice %arg5[%mul3A_188] : memref<25600xi32, #tpu.memory_space<vmem>> -> memref<128xi32, #tpu.memory_space<vmem>>
      %dma_start3A_190 = arith.constant 0 : i32
      %dma_start3A_191 = arith.constant 0 : i32
      %dma_start3A_192 = tpu.memref_slice %arg3[%dma_start3A_190, %dma_start3A_191] : memref<100000x128xf32, #tpu.memory_space<hbm>> -> memref<100000x128xf32, #tpu.memory_space<hbm>>
      tpu.enqueue_indirect_dma source(%dma_start3A_192 : memref<100000x128xf32, #tpu.memory_space<hbm>>) target(%arg8 : memref<128x128xf32, #tpu.memory_space<vmem>>) offsets(%dma_start3A_189 : memref<128xi32, #tpu.memory_space<vmem>>) semaphore(%arg13 : memref<!tpu.dma_semaphore, #tpu.memory_space<semaphore_mem>>)
      %dma_wait3A_193 = arith.constant 0 : i32
      %dma_wait3A_194 = tpu.memref_slice %arg5[%dma_wait3A_193] : memref<25600xi32, #tpu.memory_space<vmem>> -> memref<128xi32, #tpu.memory_space<vmem>>
      %dma_wait3A_195 = arith.constant 0 : i32
      %dma_wait3A_196 = arith.constant 0 : i32
      %dma_wait3A_197 = tpu.memref_slice %arg3[%dma_wait3A_195, %dma_wait3A_196] : memref<100000x128xf32, #tpu.memory_space<hbm>> -> memref<100000x128xf32, #tpu.memory_space<hbm>>
      tpu.wait_indirect_dma semaphore(%arg14 : memref<!tpu.dma_semaphore, #tpu.memory_space<semaphore_mem>>) src(%dma_wait3A_197 : memref<100000x128xf32, #tpu.memory_space<hbm>>) dst(%arg9 : memref<128x128xf32, #tpu.memory_space<vmem>>)
      %add3A_198 = arith.constant 3 : i32
      %add3A_199 = arith.addi %mul3A_108, %add3A_198 : i32
      %mul3A_200 = arith.constant 128 : i32
      %mul3A_201 = arith.muli %add3A_199, %mul3A_200 : i32
      %add3A_202 = arith.addi %mul3A_2, %mul3A_201 : i32
      %dma_start3A_203 = arith.constant 0 : i32
      %dma_start3A_204 = tpu.memref_slice %arg4[%add3A_202, %dma_start3A_203] : memref<819200x128xf32, #tpu.memory_space<hbm>> -> memref<128x128xf32, #tpu.memory_space<hbm>>
      %dma_start3A_205 = arith.constant 0 : i32
      %dma_start3A_206 = tpu.memref_slice %arg4[%add3A_202, %dma_start3A_205] : memref<819200x128xf32, #tpu.memory_space<hbm>> -> memref<128x128xf32, #tpu.memory_space<hbm>>
      tpu.enqueue_dma source(%arg9 : memref<128x128xf32, #tpu.memory_space<vmem>>) target(%dma_start3A_206 : memref<128x128xf32, #tpu.memory_space<hbm>>) target_semaphore(%arg19 : memref<!tpu.dma_semaphore, #tpu.memory_space<semaphore_mem>>)
      %dma_wait3A_207 = arith.constant 0 : i32
      %dma_wait3A_208 = tpu.memref_slice %arg4[%mul3A_2, %dma_wait3A_207] : memref<819200x128xf32, #tpu.memory_space<hbm>> -> memref<128x128xf32, #tpu.memory_space<hbm>>
      %dma_wait3A_209 = arith.constant 0 : i32
      %dma_wait3A_210 = tpu.memref_slice %arg4[%mul3A_2, %dma_wait3A_209] : memref<819200x128xf32, #tpu.memory_space<hbm>> -> memref<128x128xf32, #tpu.memory_space<hbm>>
      tpu.wait_dma2 semaphore(%arg19 : memref<!tpu.dma_semaphore, #tpu.memory_space<semaphore_mem>>) src(%arg9 : memref<128x128xf32, #tpu.memory_space<vmem>>) dst(%dma_wait3A_210 : memref<128x128xf32, #tpu.memory_space<hbm>>)
      %add3A_211 = arith.constant 3 : i32
      %add3A_212 = arith.addi %mul3A_108, %add3A_211 : i32
      %add3A_213 = arith.constant 5 : i32
      %add3A_214 = arith.addi %add3A_212, %add3A_213 : i32
      %mul3A_215 = arith.constant 128 : i32
      %mul3A_216 = arith.muli %add3A_214, %mul3A_215 : i32
      %dma_start3A_217 = tpu.memref_slice %arg5[%mul3A_216] : memref<25600xi32, #tpu.memory_space<vmem>> -> memref<128xi32, #tpu.memory_space<vmem>>
      %dma_start3A_218 = arith.constant 0 : i32
      %dma_start3A_219 = arith.constant 0 : i32
      %dma_start3A_220 = tpu.memref_slice %arg3[%dma_start3A_218, %dma_start3A_219] : memref<100000x128xf32, #tpu.memory_space<hbm>> -> memref<100000x128xf32, #tpu.memory_space<hbm>>
      tpu.enqueue_indirect_dma source(%dma_start3A_220 : memref<100000x128xf32, #tpu.memory_space<hbm>>) target(%arg9 : memref<128x128xf32, #tpu.memory_space<vmem>>) offsets(%dma_start3A_217 : memref<128xi32, #tpu.memory_space<vmem>>) semaphore(%arg14 : memref<!tpu.dma_semaphore, #tpu.memory_space<semaphore_mem>>)
      %dma_wait3A_221 = arith.constant 0 : i32
      %dma_wait3A_222 = tpu.memref_slice %arg5[%dma_wait3A_221] : memref<25600xi32, #tpu.memory_space<vmem>> -> memref<128xi32, #tpu.memory_space<vmem>>
      %dma_wait3A_223 = arith.constant 0 : i32
      %dma_wait3A_224 = arith.constant 0 : i32
      %dma_wait3A_225 = tpu.memref_slice %arg3[%dma_wait3A_223, %dma_wait3A_224] : memref<100000x128xf32, #tpu.memory_space<hbm>> -> memref<100000x128xf32, #tpu.memory_space<hbm>>
      tpu.wait_indirect_dma semaphore(%arg15 : memref<!tpu.dma_semaphore, #tpu.memory_space<semaphore_mem>>) src(%dma_wait3A_225 : memref<100000x128xf32, #tpu.memory_space<hbm>>) dst(%arg10 : memref<128x128xf32, #tpu.memory_space<vmem>>)
      %add3A_226 = arith.constant 4 : i32
      %add3A_227 = arith.addi %mul3A_108, %add3A_226 : i32
      %mul3A_228 = arith.constant 128 : i32
      %mul3A_229 = arith.muli %add3A_227, %mul3A_228 : i32
      %add3A_230 = arith.addi %mul3A_2, %mul3A_229 : i32
      %dma_start3A_231 = arith.constant 0 : i32
      %dma_start3A_232 = tpu.memref_slice %arg4[%add3A_230, %dma_start3A_231] : memref<819200x128xf32, #tpu.memory_space<hbm>> -> memref<128x128xf32, #tpu.memory_space<hbm>>
      %dma_start3A_233 = arith.constant 0 : i32
      %dma_start3A_234 = tpu.memref_slice %arg4[%add3A_230, %dma_start3A_233] : memref<819200x128xf32, #tpu.memory_space<hbm>> -> memref<128x128xf32, #tpu.memory_space<hbm>>
      tpu.enqueue_dma source(%arg10 : memref<128x128xf32, #tpu.memory_space<vmem>>) target(%dma_start3A_234 : memref<128x128xf32, #tpu.memory_space<hbm>>) target_semaphore(%arg20 : memref<!tpu.dma_semaphore, #tpu.memory_space<semaphore_mem>>)
      %dma_wait3A_235 = arith.constant 0 : i32
      %dma_wait3A_236 = tpu.memref_slice %arg4[%mul3A_2, %dma_wait3A_235] : memref<819200x128xf32, #tpu.memory_space<hbm>> -> memref<128x128xf32, #tpu.memory_space<hbm>>
      %dma_wait3A_237 = arith.constant 0 : i32
      %dma_wait3A_238 = tpu.memref_slice %arg4[%mul3A_2, %dma_wait3A_237] : memref<819200x128xf32, #tpu.memory_space<hbm>> -> memref<128x128xf32, #tpu.memory_space<hbm>>
      tpu.wait_dma2 semaphore(%arg20 : memref<!tpu.dma_semaphore, #tpu.memory_space<semaphore_mem>>) src(%arg10 : memref<128x128xf32, #tpu.memory_space<vmem>>) dst(%dma_wait3A_238 : memref<128x128xf32, #tpu.memory_space<hbm>>)
      %add3A_239 = arith.constant 4 : i32
      %add3A_240 = arith.addi %mul3A_108, %add3A_239 : i32
      %add3A_241 = arith.constant 5 : i32
      %add3A_242 = arith.addi %add3A_240, %add3A_241 : i32
      %mul3A_243 = arith.constant 128 : i32
      %mul3A_244 = arith.muli %add3A_242, %mul3A_243 : i32
      %dma_start3A_245 = tpu.memref_slice %arg5[%mul3A_244] : memref<25600xi32, #tpu.memory_space<vmem>> -> memref<128xi32, #tpu.memory_space<vmem>>
      %dma_start3A_246 = arith.constant 0 : i32
      %dma_start3A_247 = arith.constant 0 : i32
      %dma_start3A_248 = tpu.memref_slice %arg3[%dma_start3A_246, %dma_start3A_247] : memref<100000x128xf32, #tpu.memory_space<hbm>> -> memref<100000x128xf32, #tpu.memory_space<hbm>>
      tpu.enqueue_indirect_dma source(%dma_start3A_248 : memref<100000x128xf32, #tpu.memory_space<hbm>>) target(%arg10 : memref<128x128xf32, #tpu.memory_space<vmem>>) offsets(%dma_start3A_245 : memref<128xi32, #tpu.memory_space<vmem>>) semaphore(%arg15 : memref<!tpu.dma_semaphore, #tpu.memory_space<semaphore_mem>>)
    }
    %scan3A_31 = arith.constant 39 : i32
    %dma_wait3A = arith.constant 0 : i32
    %dma_wait3A_32 = tpu.memref_slice %arg5[%dma_wait3A] : memref<25600xi32, #tpu.memory_space<vmem>> -> memref<128xi32, #tpu.memory_space<vmem>>
    %dma_wait3A_33 = arith.constant 0 : i32
    %dma_wait3A_34 = arith.constant 0 : i32
    %dma_wait3A_35 = tpu.memref_slice %arg3[%dma_wait3A_33, %dma_wait3A_34] : memref<100000x128xf32, #tpu.memory_space<hbm>> -> memref<100000x128xf32, #tpu.memory_space<hbm>>
    tpu.wait_indirect_dma semaphore(%arg11 : memref<!tpu.dma_semaphore, #tpu.memory_space<semaphore_mem>>) src(%dma_wait3A_35 : memref<100000x128xf32, #tpu.memory_space<hbm>>) dst(%arg6 : memref<128x128xf32, #tpu.memory_space<vmem>>)
    %add3A_36 = arith.constant 24960 : i32
    %add3A_37 = arith.addi %mul3A_2, %add3A_36 : i32
    %dma_start3A_38 = arith.constant 0 : i32
    %dma_start3A_39 = tpu.memref_slice %arg4[%add3A_37, %dma_start3A_38] : memref<819200x128xf32, #tpu.memory_space<hbm>> -> memref<128x128xf32, #tpu.memory_space<hbm>>
    %dma_start3A_40 = arith.constant 0 : i32
    %dma_start3A_41 = tpu.memref_slice %arg4[%add3A_37, %dma_start3A_40] : memref<819200x128xf32, #tpu.memory_space<hbm>> -> memref<128x128xf32, #tpu.memory_space<hbm>>
    tpu.enqueue_dma source(%arg6 : memref<128x128xf32, #tpu.memory_space<vmem>>) target(%dma_start3A_41 : memref<128x128xf32, #tpu.memory_space<hbm>>) target_semaphore(%arg16 : memref<!tpu.dma_semaphore, #tpu.memory_space<semaphore_mem>>)
    %dma_wait3A_42 = arith.constant 0 : i32
    %dma_wait3A_43 = tpu.memref_slice %arg4[%mul3A_2, %dma_wait3A_42] : memref<819200x128xf32, #tpu.memory_space<hbm>> -> memref<128x128xf32, #tpu.memory_space<hbm>>
    %dma_wait3A_44 = arith.constant 0 : i32
    %dma_wait3A_45 = tpu.memref_slice %arg4[%mul3A_2, %dma_wait3A_44] : memref<819200x128xf32, #tpu.memory_space<hbm>> -> memref<128x128xf32, #tpu.memory_space<hbm>>
    tpu.wait_dma2 semaphore(%arg16 : memref<!tpu.dma_semaphore, #tpu.memory_space<semaphore_mem>>) src(%arg6 : memref<128x128xf32, #tpu.memory_space<vmem>>) dst(%dma_wait3A_45 : memref<128x128xf32, #tpu.memory_space<hbm>>)
    %dma_wait3A_46 = arith.constant 0 : i32
    %dma_wait3A_47 = tpu.memref_slice %arg5[%dma_wait3A_46] : memref<25600xi32, #tpu.memory_space<vmem>> -> memref<128xi32, #tpu.memory_space<vmem>>
    %dma_wait3A_48 = arith.constant 0 : i32
    %dma_wait3A_49 = arith.constant 0 : i32
    %dma_wait3A_50 = tpu.memref_slice %arg3[%dma_wait3A_48, %dma_wait3A_49] : memref<100000x128xf32, #tpu.memory_space<hbm>> -> memref<100000x128xf32, #tpu.memory_space<hbm>>
    tpu.wait_indirect_dma semaphore(%arg12 : memref<!tpu.dma_semaphore, #tpu.memory_space<semaphore_mem>>) src(%dma_wait3A_50 : memref<100000x128xf32, #tpu.memory_space<hbm>>) dst(%arg7 : memref<128x128xf32, #tpu.memory_space<vmem>>)
    %add3A_51 = arith.constant 25088 : i32
    %add3A_52 = arith.addi %mul3A_2, %add3A_51 : i32
    %dma_start3A_53 = arith.constant 0 : i32
    %dma_start3A_54 = tpu.memref_slice %arg4[%add3A_52, %dma_start3A_53] : memref<819200x128xf32, #tpu.memory_space<hbm>> -> memref<128x128xf32, #tpu.memory_space<hbm>>
    %dma_start3A_55 = arith.constant 0 : i32
    %dma_start3A_56 = tpu.memref_slice %arg4[%add3A_52, %dma_start3A_55] : memref<819200x128xf32, #tpu.memory_space<hbm>> -> memref<128x128xf32, #tpu.memory_space<hbm>>
    tpu.enqueue_dma source(%arg7 : memref<128x128xf32, #tpu.memory_space<vmem>>) target(%dma_start3A_56 : memref<128x128xf32, #tpu.memory_space<hbm>>) target_semaphore(%arg17 : memref<!tpu.dma_semaphore, #tpu.memory_space<semaphore_mem>>)
    %dma_wait3A_57 = arith.constant 0 : i32
    %dma_wait3A_58 = tpu.memref_slice %arg4[%mul3A_2, %dma_wait3A_57] : memref<819200x128xf32, #tpu.memory_space<hbm>> -> memref<128x128xf32, #tpu.memory_space<hbm>>
    %dma_wait3A_59 = arith.constant 0 : i32
    %dma_wait3A_60 = tpu.memref_slice %arg4[%mul3A_2, %dma_wait3A_59] : memref<819200x128xf32, #tpu.memory_space<hbm>> -> memref<128x128xf32, #tpu.memory_space<hbm>>
    tpu.wait_dma2 semaphore(%arg17 : memref<!tpu.dma_semaphore, #tpu.memory_space<semaphore_mem>>) src(%arg7 : memref<128x128xf32, #tpu.memory_space<vmem>>) dst(%dma_wait3A_60 : memref<128x128xf32, #tpu.memory_space<hbm>>)
    %dma_wait3A_61 = arith.constant 0 : i32
    %dma_wait3A_62 = tpu.memref_slice %arg5[%dma_wait3A_61] : memref<25600xi32, #tpu.memory_space<vmem>> -> memref<128xi32, #tpu.memory_space<vmem>>
    %dma_wait3A_63 = arith.constant 0 : i32
    %dma_wait3A_64 = arith.constant 0 : i32
    %dma_wait3A_65 = tpu.memref_slice %arg3[%dma_wait3A_63, %dma_wait3A_64] : memref<100000x128xf32, #tpu.memory_space<hbm>> -> memref<100000x128xf32, #tpu.memory_space<hbm>>
    tpu.wait_indirect_dma semaphore(%arg13 : memref<!tpu.dma_semaphore, #tpu.memory_space<semaphore_mem>>) src(%dma_wait3A_65 : memref<100000x128xf32, #tpu.memory_space<hbm>>) dst(%arg8 : memref<128x128xf32, #tpu.memory_space<vmem>>)
    %add3A_66 = arith.constant 25216 : i32
    %add3A_67 = arith.addi %mul3A_2, %add3A_66 : i32
    %dma_start3A_68 = arith.constant 0 : i32
    %dma_start3A_69 = tpu.memref_slice %arg4[%add3A_67, %dma_start3A_68] : memref<819200x128xf32, #tpu.memory_space<hbm>> -> memref<128x128xf32, #tpu.memory_space<hbm>>
    %dma_start3A_70 = arith.constant 0 : i32
    %dma_start3A_71 = tpu.memref_slice %arg4[%add3A_67, %dma_start3A_70] : memref<819200x128xf32, #tpu.memory_space<hbm>> -> memref<128x128xf32, #tpu.memory_space<hbm>>
    tpu.enqueue_dma source(%arg8 : memref<128x128xf32, #tpu.memory_space<vmem>>) target(%dma_start3A_71 : memref<128x128xf32, #tpu.memory_space<hbm>>) target_semaphore(%arg18 : memref<!tpu.dma_semaphore, #tpu.memory_space<semaphore_mem>>)
    %dma_wait3A_72 = arith.constant 0 : i32
    %dma_wait3A_73 = tpu.memref_slice %arg4[%mul3A_2, %dma_wait3A_72] : memref<819200x128xf32, #tpu.memory_space<hbm>> -> memref<128x128xf32, #tpu.memory_space<hbm>>
    %dma_wait3A_74 = arith.constant 0 : i32
    %dma_wait3A_75 = tpu.memref_slice %arg4[%mul3A_2, %dma_wait3A_74] : memref<819200x128xf32, #tpu.memory_space<hbm>> -> memref<128x128xf32, #tpu.memory_space<hbm>>
    tpu.wait_dma2 semaphore(%arg18 : memref<!tpu.dma_semaphore, #tpu.memory_space<semaphore_mem>>) src(%arg8 : memref<128x128xf32, #tpu.memory_space<vmem>>) dst(%dma_wait3A_75 : memref<128x128xf32, #tpu.memory_space<hbm>>)
    %dma_wait3A_76 = arith.constant 0 : i32
    %dma_wait3A_77 = tpu.memref_slice %arg5[%dma_wait3A_76] : memref<25600xi32, #tpu.memory_space<vmem>> -> memref<128xi32, #tpu.memory_space<vmem>>
    %dma_wait3A_78 = arith.constant 0 : i32
    %dma_wait3A_79 = arith.constant 0 : i32
    %dma_wait3A_80 = tpu.memref_slice %arg3[%dma_wait3A_78, %dma_wait3A_79] : memref<100000x128xf32, #tpu.memory_space<hbm>> -> memref<100000x128xf32, #tpu.memory_space<hbm>>
    tpu.wait_indirect_dma semaphore(%arg14 : memref<!tpu.dma_semaphore, #tpu.memory_space<semaphore_mem>>) src(%dma_wait3A_80 : memref<100000x128xf32, #tpu.memory_space<hbm>>) dst(%arg9 : memref<128x128xf32, #tpu.memory_space<vmem>>)
    %add3A_81 = arith.constant 25344 : i32
    %add3A_82 = arith.addi %mul3A_2, %add3A_81 : i32
    %dma_start3A_83 = arith.constant 0 : i32
    %dma_start3A_84 = tpu.memref_slice %arg4[%add3A_82, %dma_start3A_83] : memref<819200x128xf32, #tpu.memory_space<hbm>> -> memref<128x128xf32, #tpu.memory_space<hbm>>
    %dma_start3A_85 = arith.constant 0 : i32
    %dma_start3A_86 = tpu.memref_slice %arg4[%add3A_82, %dma_start3A_85] : memref<819200x128xf32, #tpu.memory_space<hbm>> -> memref<128x128xf32, #tpu.memory_space<hbm>>
    tpu.enqueue_dma source(%arg9 : memref<128x128xf32, #tpu.memory_space<vmem>>) target(%dma_start3A_86 : memref<128x128xf32, #tpu.memory_space<hbm>>) target_semaphore(%arg19 : memref<!tpu.dma_semaphore, #tpu.memory_space<semaphore_mem>>)
    %dma_wait3A_87 = arith.constant 0 : i32
    %dma_wait3A_88 = tpu.memref_slice %arg4[%mul3A_2, %dma_wait3A_87] : memref<819200x128xf32, #tpu.memory_space<hbm>> -> memref<128x128xf32, #tpu.memory_space<hbm>>
    %dma_wait3A_89 = arith.constant 0 : i32
    %dma_wait3A_90 = tpu.memref_slice %arg4[%mul3A_2, %dma_wait3A_89] : memref<819200x128xf32, #tpu.memory_space<hbm>> -> memref<128x128xf32, #tpu.memory_space<hbm>>
    tpu.wait_dma2 semaphore(%arg19 : memref<!tpu.dma_semaphore, #tpu.memory_space<semaphore_mem>>) src(%arg9 : memref<128x128xf32, #tpu.memory_space<vmem>>) dst(%dma_wait3A_90 : memref<128x128xf32, #tpu.memory_space<hbm>>)
    %dma_wait3A_91 = arith.constant 0 : i32
    %dma_wait3A_92 = tpu.memref_slice %arg5[%dma_wait3A_91] : memref<25600xi32, #tpu.memory_space<vmem>> -> memref<128xi32, #tpu.memory_space<vmem>>
    %dma_wait3A_93 = arith.constant 0 : i32
    %dma_wait3A_94 = arith.constant 0 : i32
    %dma_wait3A_95 = tpu.memref_slice %arg3[%dma_wait3A_93, %dma_wait3A_94] : memref<100000x128xf32, #tpu.memory_space<hbm>> -> memref<100000x128xf32, #tpu.memory_space<hbm>>
    tpu.wait_indirect_dma semaphore(%arg15 : memref<!tpu.dma_semaphore, #tpu.memory_space<semaphore_mem>>) src(%dma_wait3A_95 : memref<100000x128xf32, #tpu.memory_space<hbm>>) dst(%arg10 : memref<128x128xf32, #tpu.memory_space<vmem>>)
    %add3A_96 = arith.constant 25472 : i32
    %add3A_97 = arith.addi %mul3A_2, %add3A_96 : i32
    %dma_start3A_98 = arith.constant 0 : i32
    %dma_start3A_99 = tpu.memref_slice %arg4[%add3A_97, %dma_start3A_98] : memref<819200x128xf32, #tpu.memory_space<hbm>> -> memref<128x128xf32, #tpu.memory_space<hbm>>
    %dma_start3A_100 = arith.constant 0 : i32
    %dma_start3A_101 = tpu.memref_slice %arg4[%add3A_97, %dma_start3A_100] : memref<819200x128xf32, #tpu.memory_space<hbm>> -> memref<128x128xf32, #tpu.memory_space<hbm>>
    tpu.enqueue_dma source(%arg10 : memref<128x128xf32, #tpu.memory_space<vmem>>) target(%dma_start3A_101 : memref<128x128xf32, #tpu.memory_space<hbm>>) target_semaphore(%arg20 : memref<!tpu.dma_semaphore, #tpu.memory_space<semaphore_mem>>)
    %dma_wait3A_102 = arith.constant 0 : i32
    %dma_wait3A_103 = tpu.memref_slice %arg4[%mul3A_2, %dma_wait3A_102] : memref<819200x128xf32, #tpu.memory_space<hbm>> -> memref<128x128xf32, #tpu.memory_space<hbm>>
    %dma_wait3A_104 = arith.constant 0 : i32
    %dma_wait3A_105 = tpu.memref_slice %arg4[%mul3A_2, %dma_wait3A_104] : memref<819200x128xf32, #tpu.memory_space<hbm>> -> memref<128x128xf32, #tpu.memory_space<hbm>>
    tpu.wait_dma2 semaphore(%arg20 : memref<!tpu.dma_semaphore, #tpu.memory_space<semaphore_mem>>) src(%arg10 : memref<128x128xf32, #tpu.memory_space<vmem>>) dst(%dma_wait3A_105 : memref<128x128xf32, #tpu.memory_space<hbm>>)
    return
  }
}

</mosaic_0001>

<sc_bundles>
// kernel: kernel.3.cloned.1.call-start
scs
__scs_entry_jumppad:
0x0: {  	(pc) =	sbr.rel $0x88, $3  }
0x1: {  	(tag) =	ssettag $0x0;
	lr =	simm.s32 $0x1  }
0x2: {  	[smem:$0x3F9F] =	sst lr;
	_ =	strace $0xD0000000  }
0x3: {  	_ = 	snop  }
0x4: {  	_ = 	snop  }
0x5: {  	_ = 	snop  }
0x6: {  	_ = 	snop  }
0x7: {  	_ = 	snop  }
__scs_overlays_trampoline_lowered:
0x8: {  	[smem:$0x3FAE] =	sst s0  }
0x9: {  	[smem:$0x3FAF] =	sst s1  }
0xa: {  	[smem:$0x3FB0] =	sst s2  }
0xb: {  	[smem:$0x3FB1] =	sst s3  }
0xc: {  	[smem:$0x3FB2] =	sst s4  }
0xd: {  	[smem:$0x3FB3] =	sst s5  }
0xe: {  	[smem:$0x3FB4] =	sst s6  }
0xf: {  	[smem:$0x3FB5] =	sst s7  }
0x10: {  	[smem:$0x3FB6] =	sst s8  }
0x11: {  	[smem:$0x3FB7] =	sst s9;
	s0 =	simm.s32 @!p0 $0x0  }
0x12: {  	s1 =	sld [smem:$0x3F9D];
	s0 =	simm.s32 @p0 $0x1  }
0x13: {  	[smem:$0x3FB8] =	sst s0;
	s0 =	simm.s32 @!p1 $0x0  }
0x14: {  	s2 =	sld [smem:$0x3F9C];
	s0 =	simm.s32 @p1 $0x1  }
0x15: {  	[smem:$0x3FB9] =	sst s0;
	s0 =	simm.s32 @!p2 $0x0  }
0x16: {  	s3 =	sld [smem:$0x3FDB];
	s0 =	simm.s32 @p2 $0x1  }
0x17: {  	s4 =	simm.s32 $0x1BF5;
	[smem:$0x3FBB] =	sst s0  }
0x18: {  	s0 =	sld [smem:$0x3F9E];
	_ =	swait.ge [sflag:s4], $0x0  }
0x19: {  	s7 =	sld [smem:$0x3F9F]  }
0x1a: {  	s8 =	sadd.s32 $0xFFFFE003, lr  }
0x1b: {  	s9 =	sadd.s32 $0xFFFFFEF7, lr;
	s5 =	simm.s32 $0xFFFFFFFF;
	p2 =	slt.u32 s8, $0xFFFFF086  }
0x1c: {  	p1 =	slt.u32 s9, $0xF7A;
	s5 =	simm.s32 @!p2 $0x0  }
0x1d: {  	s5 =	simm.s32 @p1 $0x1;
	p0 =	seq.s32 s7, s2  }
0x1e: {  	s7 =	smul.u32 @!p0 $0xF7A, s2;
	p2 =	seq.s32 @!p0 s5, $0x0  }
0x1f: {  	s9 =	smul.u32 $0xF7A, s1;
	s8 =	simm.s32 @!p0 $0x1BF5;
	p2 =	por !p2, p0  }
0x20: {  	[sflag:s8] =	ssyncset.s32 @!p0 $0xFFFFF086;
	s6 =	sadd.s32 @!p0 s3, s7;
	s7 =	simm.s32 @!p0 $0x108  }
0x21: {  	s3 =	sadd.s32 s3, s9;
	s6 =	sadd.s32 @!p0 $0x88, s6;
	s7 =	simm.s32 @p2 $0x1082  }
0x22: {  	[simem:s7], [sflag:s8] =	dma.local @!p0 [hbm:s6], $0xF7A  }
0x23: {  	s9 =	sor.u32 $0xD0000000, s2;
	s6 =	simm.s32 $0x108;
	_ =	swait.ge @!p0 [sflag:s8], $0x0  }
0x24: {  	s3 =	sadd.s32 $0x88, s3;
	s6 =	simm.s32 @!p1 $0x1082;
	[sflag:s4] =	ssyncset.s32 $0xFFFFF086  }
0x25: {  	[simem:s6], [sflag:s4] =	dma.local [hbm:s3], $0xF7A  }
0x26: {  	[smem:$0x3F9F] =	sst s1;
	(tag) =	ssettag s2;
	_ =	strace s9  }
0x27: {  	s1 =	sld [smem:$0x3FAF]  }
0x28: {  	s2 =	sld [smem:$0x3FB0]  }
0x29: {  	s4 =	sld [smem:$0x3FB2]  }
0x2a: {  	p0 =	seq.s32 s5, $0x0;
	s5 =	sld [smem:$0x3FB3]  }
0x2b: {  	s6 =	sld [smem:$0x3FB4]  }
0x2c: {  	s7 =	sld [smem:$0x3FB5]  }
0x2d: {  	s3 =	simm.s32 $0x108;
	s8 =	sld [smem:$0x3FB6]  }
0x2e: {  	s3 =	simm.s32 @!p0 $0x1082;
	s9 =	sld [smem:$0x3FB7]  }
0x2f: {  	lr =	sadd.s32 s0, s3;
	s0 =	sld [smem:$0x3FAE]  }
0x30: {  	s3 =	sld [smem:$0x3FB1]  }
0x31: {  	[smem:$0x3FBA] =	sst s10  }
0x32: {  	s10 =	sld [smem:$0x3FB8];
	_ =	sdelay $0x3  }
0x33: {  	p0 =	seq.s32 s10, $0x1;
	s10 =	sld [smem:$0x3FBA];
	_ =	sdelay $0x3  }
0x34: {  	[smem:$0x3FBA] =	sst s10  }
0x35: {  	s10 =	sld [smem:$0x3FB9];
	_ =	sdelay $0x3  }
0x36: {  	p1 =	seq.s32 s10, $0x1;
	s10 =	sld [smem:$0x3FBA];
	_ =	sdelay $0x3  }
0x37: {  	[smem:$0x3FBA] =	sst s10  }
0x38: {  	s10 =	sld [smem:$0x3FBB]  }
0x39: {  	_ = 	snop;
	(pc) =	sbr.ind lr, $3  }
0x3a: {  	_ = 	snop  }
0x3b: {  	_ = 	snop  }
0x3c: {  	p2 =	seq.s32 s10, $0x1;
	s10 =	sld [smem:$0x3FBA]  }
0x3d: {  	_ =	shalt  }
0x3e: {  	_ =	shalt  }
0x3f: {  	_ =	shalt  }
0x40: {  	_ =	shalt  }
0x41: {  	_ =	shalt  }
0x42: {  	_ =	shalt  }
0x43: {  	_ =	shalt  }
0x44: {  	_ =	shalt  }
0x45: {  	_ =	shalt  }
0x46: {  	_ =	shalt  }
0x47: {  	_ =	shalt  }
0x48: {  	_ =	shalt  }
0x49: {  	_ =	shalt  }
0x4a: {  	_ =	shalt  }
0x4b: {  	_ =	shalt  }
0x4c: {  	_ =	shalt  }
0x4d: {  	_ =	shalt  }
0x4e: {  	_ =	shalt  }
0x4f: {  	_ =	shalt  }
0x50: {  	_ =	shalt  }
0x51: {  	_ =	shalt  }
0x52: {  	_ =	shalt  }
0x53: {  	_ =	shalt  }
0x54: {  	_ =	shalt  }
0x55: {  	_ =	shalt  }
0x56: {  	_ =	shalt  }
0x57: {  	_ =	shalt  }
0x58: {  	_ =	shalt  }
0x59: {  	_ =	shalt  }
0x5a: {  	_ =	shalt  }
0x5b: {  	_ =	shalt  }
0x5c: {  	_ =	shalt  }
0x5d: {  	_ =	shalt  }
0x5e: {  	_ =	shalt  }
0x5f: {  	_ =	shalt  }
0x60: {  	_ =	shalt  }
0x61: {  	_ =	shalt  }
0x62: {  	_ =	shalt  }
0x63: {  	_ =	shalt  }
0x64: {  	_ =	shalt  }
0x65: {  	_ =	shalt  }
0x66: {  	_ =	shalt  }
0x67: {  	_ =	shalt  }
0x68: {  	_ =	shalt  }
0x69: {  	_ =	shalt  }
0x6a: {  	_ =	shalt  }
0x6b: {  	_ =	shalt  }
0x6c: {  	_ =	shalt  }
0x6d: {  	_ =	shalt  }
0x6e: {  	_ =	shalt  }
0x6f: {  	_ =	shalt  }
0x70: {  	_ =	shalt  }
0x71: {  	_ =	shalt  }
0x72: {  	_ =	shalt  }
0x73: {  	_ =	shalt  }
0x74: {  	_ =	shalt  }
0x75: {  	_ =	shalt  }
0x76: {  	_ =	shalt  }
0x77: {  	_ =	shalt  }
0x78: {  	_ =	shalt  }
0x79: {  	_ =	shalt  }
0x7a: {  	_ =	shalt  }
0x7b: {  	_ =	shalt  }
0x7c: {  	_ =	shalt  }
0x7d: {  	_ =	shalt  }
0x7e: {  	_ =	shalt  }
0x7f: {  	_ =	shalt  }
0x80: {  	_ =	shalt  }
0x81: {  	_ =	shalt  }
0x82: {  	_ =	shalt  }
0x83: {  	_ =	shalt  }
0x84: {  	_ =	shalt  }
0x85: {  	_ =	shalt  }
0x86: {  	_ =	shalt  }
0x87: {  	_ =	shalt  }
.Lfunc_end0:
.L_simem_size_0:
called_computation_lowered:
.L_overlay_start_0:
0x88: {  	s2 =	sld [smem:$0x3FD9]  }
0x89: {  	s3 =	sld [smem:$0x3FFE];
	_ =	sdelay $0x1  }
0x8a: {  	s1 =	srdreg.scid  }
0x8b: {  	s0 =	sand.u32 $0x1, s1  }
0x8c: {  	s17 =	sshll.u32 s0, $0xA;
	s2 =	sadd.s32 s3, s2  }
0x8d: {  	s2 =	sadd.s32 s2, s17  }
0x8e: {  	[smem:$0x3FC6] =	sst s2  }
0x8f: {  	_ = 	snop  }
0x90: {  	s2 =	sld [smem:$0x3FC8]  }
0x91: {  	s18 =	sld [smem:$0x3FD0];
	(tm) =	ssettm $0x1  }
0x92: {  	s4 =	sld [smem:$0x3FFB];
	_ =	sdelay $0x3  }
0x93: {  	_ =	strace s4  }
0x94: {  	s4 =	sld [smem:$0x3FFC];
	_ =	sdelay $0x3  }
0x95: {  	_ =	strace s4  }
0x96: {  	s4 =	sld [smem:$0x3FFD];
	_ =	sdelay $0x3  }
0x97: {  	_ =	strace s4  }
0x98: {  	_ =	strace $0x8FFFFFFF  }
0x99: {  	s19 =	sld [smem:$0x3FDB];
	_ =	sdelay $0x1  }
0x9a: {  	s5 =	simm.s32 $_scs_section_size  }
0x9b: {  	s6 =	simm.s32 $_size__tile_overlayer_lowered;
	s7 =	simm.s32 $_tile_overlayer_lowered  }
0x9c: {  	s22 =	simm.s32 $0x1BFF;
	s21 =	sshll.u32 s7, $0x1;
	s4 =	sadd.s32 s5, s19  }
0x9d: {  	s8 =	simm.s32 $0x0;
	s20 =	sshll.u32 s6, $0x1;
	s6 =	sadd.s32 s21, s4  }
0x9e: {  	[timem:s8], [sflag:s22] =	dma.local [hbm:s6], s20  }
0x9f: {  	_ =	swait.ge [sflag:s22], s20  }
0xa0: {  	s5 =	ssub.s32 $0x0, s20;
	[sflag:s22] =	ssyncset.done $0x0  }
0xa1: {  	[sflag:s22] =	ssyncadd.s32 s5;
	_ =	sdelay $0x1  }
0xa2: {  	s23 =	simm.s32 $0x1B8B  }
0xa3: {  	_ =	swait.ge [sflag:s23], $0x1  }
0xa4: {  	[sflag:s23] =	ssyncset.done $0x0  }
0xa5: {  	s25 =	simm.s32 $0x1B8E;
	s24 =	sld [smem:$0x3FFE];
	[sflag:s23] =	ssyncadd.s32 $0xFFFFFFFF  }
0xa6: {  	s26 =	simm.s32 $execute0_lowered;
	[smem:$0x3FD2] =	sst s25  }
0xa7: {  	s6 =	sshll.u32 s26, $0x1;
	_ =	strace $0x80000046;
	[dreg:$0x1] =	wrdreg $0xFFFFFFFF  }
0xa8: {  	s28 =	simm.s32 $_size_execute0_lowered;
	s4 =	sadd.s32 s4, s6;
	[dreg:$0x0] =	wrdreg $0x0  }
0xa9: {  	s6 =	sshll.u32 s28, $0x1;
	[dreg:$0x2] =	wrdreg s4  }
0xaa: {  	[dreg:$0x3] =	wrdreg s6  }
0xab: {  	[dreg:$0x4] =	wrdreg $0xC0  }
0xac: {  	_ =	task [dreg:s8], $0x5FFFF  }
0xad: {  	[dreg:$0x1] =	wrdreg $0xFFFFFFFF  }
0xae: {  	[dreg:$0x0] =	wrdreg $0x60  }
0xaf: {  	[dreg:$0x2] =	wrdreg s24  }
0xb0: {  	[dreg:$0x3] =	wrdreg s2  }
0xb1: {  	[dreg:$0x4] =	wrdreg s18  }
0xb2: {  	[dreg:$0x5] =	wrdreg $0x9  }
0xb3: {  	_ =	task.clear_ibuf [dreg:s8], $0x6FFFF;
	_ =	strace $0x90000046  }
0xb4: {  	s29 =	simm.s32 $0x9;
	_ =	strace $0x80000048  }
0xb5: {  	_ =	swait.ge [sflag:s29], $0x1  }
0xb6: {  	[sflag:s29] =	ssyncadd.s32 $0xFFFFFFFF  }
0xb7: {  	_ =	strace $0x90000048  }
0xb8: {  	_ =	sfence  }
0xb9: {  	s30 =	sld [smem:$0x0];
	_ =	sdelay $0x2  }
0xba: {  	s31 =	sshll.u32 s1, $0xD;
	s1 =	sshrl.u32 s1, $0x2  }
0xbb: {  	s3 =	sand.u32 $0x4000, s31;
	s1 =	sadd.s32 s1, s30  }
0xbc: {  	s0 =	sor.u32 s3, s0;
	s1 =	sshll.u32 s1, $0x11  }
0xbd: {  	s0 =	sor.u32 s1, s0  }
0xbe: {  	s0 =	sadd.s32 $0x8F2B, s0  }
0xbf: {  	[sflag:s0] =	ssyncadd.remote.s32 $0x1  }
0xc0: {  	_ =	sfence.sel $0xFFFF  }
0xc1: {  	[dreg:$0x0] =	wrdreg $0xFFFFFFFF;
	(pc) =	sbr.abs _section_cstart, $3  }
0xc2: {  	[dreg:$0x1] =	wrdreg $0xFFFFFFFF  }
0xc3: {  	_ =	task.clear_ibuf [dreg:s8], $0x2FFFF;
	_ =	strace $0x9FFFFFFF  }
0xc4: {  	(tm) =	ssettm $0x7FFFFFFF  }
0xc5: {  	_ =	shalt  }
tec
execute0_lowered:
.L_overlay_start_1:
0x0: {  	(tag) =	ssettag $0x1  }
0x1: {  	s0 =	rddreg [dreg:$0x0]  }
0x2: {  	s1 =	srdreg.scid;
	s2 =	rddreg [dreg:$0x1]  }
0x3: {  	s8 =	stileid.u32;
	s7 =	rddreg [dreg:$0x2];
	s12 =	simm.s32 $0xB  }
0x4: {  	s13 =	simm.s32 $0x80;
	s14 =	simm.s32 $0x6400;
	s15 =	simm.s32 $0xA400  }
0x5: {  	s17 =	simm.s32 $0xE400;
	s19 =	simm.s32 $0x12400;
	s21 =	simm.s32 $0x16400  }
0x6: {  	s22 =	simm.s32 $0x1;
	s23 =	simm.s32 $0x6;
	s28 =	simm.s32 $0x8  }
0x7: {  	s29 =	simm.s32 $0x4;
	s1 =	sand.u32 $0x1, s1;
	s3 =	sshll.u32 s8, $0x1  }
0x8: {  	s30 =	simm.s32 $0x9;
	s8 =	smul.u32 $0xC8000, s8;
	s4 =	sor.u32 s1, s3  }
0x9: {  	s3 =	simm.s32 $0x0;
	s6 =	ssub.s32 $0x2, s1;
	s1 =	smul.u32 $0x64000, s1  }
0xa: {  	s31 =	simm.s32 $0x5;
	s5 =	smul.u32 $0x6400, s4;
	[smem:$0x7FF] =	sst s3  }
0xb: {  	s4 =	smul.u32 $0x320000, s4;
	s24 =	sshrl.u32 s6, $0x1;
	s9 =	sadd.s32 s8, s7  }
0xc: {  	_ =	strace $0x80000047;
	s10 =	ssub.s32 s6, s24;
	s1 =	sadd.s32 s1, s9  }
0xd: {  	s24 =	simm.s32 $0x2;
	s5 =	sshrl.u32 s5, $0x3;
	s25 =	sshrl.u32 s4, $0x3  }
0xe: {  	s10 =	smax.u32 s10, $0x1;
	s11 =	sadd.s32 $0x2000, s1;
	s1 =	simm.s32 $0xA  }
0xf: {  	s0 =	sadd.s32 s5, s0;
	s26 =	sadd.s32 s7, s25;
	s25 =	simm.s32 $0x7  }
0x10: {  	s0 =	sadd.s32 $0x400, s0;
	s5 =	sadd.s32 $0x61800, s26;
	s6 =	sadd.s32 $0x62000, s26  }
0x11: {  	s7 =	sadd.s32 $0x62800, s26;
	s8 =	sadd.s32 $0x63000, s26;
	s9 =	sadd.s32 $0x63800, s26  }
0x12: {  	s26 =	simm.s32 $0x3;
	[dreg:$0x4] =	wrdreg s0;
	s0 =	simm.s32 $0x0  }
.LBB2_1:
0x13: {  	s4 =	rddreg [dreg:$0x4]  }
0x14: {  	[tilespmem:s3], [sflag:$0xB] =	stream.linear.gather [hbm4b:s4+s3], $0x6400, $0x38;
	[tilespmem:$0x1A400] =	vst v63  }
0x15: {  	_ =	swait.ge [sflag:s12], $0x6400  }
0x16: {  	[sflag:s12] =	ssyncset.done $0x0  }
0x17: {  	[sflag:s12] =	ssyncadd.s32 $0xFFFF9C00  }
0x18: {  	[tilespmem:s14], [sflag:$0x1] =	stream.indirect.gather [hbm4b:s2+s13], $0x80, s3, s13, $0xb8;
	[tilespmem:$0x1A400] =	vst v63  }
0x19: {  	_ = 	snop  }
0x1a: {  	[tilespmem:s15], [sflag:$0x2] =	stream.indirect.gather [hbm4b:s2+s13], $0x80, s13, s13, $0xb8;
	[tilespmem:$0x1A400] =	vst v63  }
0x1b: {  	s20 =	simm.s32 $0x100  }
0x1c: {  	[tilespmem:s17], [sflag:$0x3] =	stream.indirect.gather [hbm4b:s2+s13], $0x80, s20, s13, $0xb8;
	[tilespmem:$0x1A400] =	vst v63  }
0x1d: {  	s16 =	simm.s32 $0x180  }
0x1e: {  	[tilespmem:s19], [sflag:$0x4] =	stream.indirect.gather [hbm4b:s2+s13], $0x80, s16, s13, $0xb8;
	[tilespmem:$0x1A400] =	vst v63  }
0x1f: {  	s18 =	simm.s32 $0x200  }
0x20: {  	[tilespmem:s21], [sflag:$0x5] =	stream.indirect.gather [hbm4b:s2+s13], $0x80, s18, s13, $0xb8;
	[tilespmem:$0x1A400] =	vst v63  }
0x21: {  	_ =	swait.ge [sflag:s22], $0x4000  }
0x22: {  	[sflag:s22] =	ssyncset.done $0x0  }
0x23: {  	s16 =	sadd.s32 $0xFFFFE000, s11;
	[sflag:s22] =	ssyncadd.s32 $0xFFFFC000  }
0x24: {  	[hbm4b:s16+s3] =	stream.linear.scatter [tilespmem:s14], [sflag:$0x6], $0x4000, $0x38;
	[tilespmem:$0x1A400] =	vst v63  }
0x25: {  	_ =	swait.ge [sflag:s23], $0x4000  }
0x26: {  	[sflag:s23] =	ssyncset.done $0x0  }
0x27: {  	s20 =	simm.s32 $0x280;
	[sflag:s23] =	ssyncadd.s32 $0xFFFFC000  }
0x28: {  	[tilespmem:s14], [sflag:$0x1] =	stream.indirect.gather [hbm4b:s2+s13], $0x80, s20, s13, $0xb8;
	[tilespmem:$0x1A400] =	vst v63  }
0x29: {  	_ =	swait.ge [sflag:s24], $0x4000  }
0x2a: {  	[sflag:s24] =	ssyncset.done $0x0  }
0x2b: {  	s4 =	sadd.s32 $0xFFFFE800, s11;
	[sflag:s24] =	ssyncadd.s32 $0xFFFFC000  }
0x2c: {  	[hbm4b:s4+s3] =	stream.linear.scatter [tilespmem:s15], [sflag:$0x7], $0x4000, $0x38;
	[tilespmem:$0x1A400] =	vst v63  }
0x2d: {  	_ =	swait.ge [sflag:s25], $0x4000  }
0x2e: {  	[sflag:s25] =	ssyncset.done $0x0  }
0x2f: {  	s18 =	simm.s32 $0x300;
	[sflag:s25] =	ssyncadd.s32 $0xFFFFC000  }
0x30: {  	[tilespmem:s15], [sflag:$0x2] =	stream.indirect.gather [hbm4b:s2+s13], $0x80, s18, s13, $0xb8;
	[tilespmem:$0x1A400] =	vst v63  }
0x31: {  	_ =	swait.ge [sflag:s26], $0x4000  }
0x32: {  	[sflag:s26] =	ssyncset.done $0x0  }
0x33: {  	s20 =	sadd.s32 $0xFFFFF000, s11;
	[sflag:s26] =	ssyncadd.s32 $0xFFFFC000  }
0x34: {  	[hbm4b:s20+s3] =	stream.linear.scatter [tilespmem:s17], [sflag:$0x8], $0x4000, $0x38;
	[tilespmem:$0x1A400] =	vst v63  }
0x35: {  	_ =	swait.ge [sflag:s28], $0x4000  }
0x36: {  	[sflag:s28] =	ssyncset.done $0x0  }
0x37: {  	s4 =	simm.s32 $0x380;
	[sflag:s28] =	ssyncadd.s32 $0xFFFFC000  }
0x38: {  	[tilespmem:s17], [sflag:$0x3] =	stream.indirect.gather [hbm4b:s2+s13], $0x80, s4, s13, $0xb8;
	[tilespmem:$0x1A400] =	vst v63  }
0x39: {  	_ =	swait.ge [sflag:s29], $0x4000  }
0x3a: {  	[sflag:s29] =	ssyncset.done $0x0  }
0x3b: {  	s18 =	sadd.s32 $0xFFFFF800, s11;
	[sflag:s29] =	ssyncadd.s32 $0xFFFFC000  }
0x3c: {  	[hbm4b:s18+s3] =	stream.linear.scatter [tilespmem:s19], [sflag:$0x9], $0x4000, $0x38;
	[tilespmem:$0x1A400] =	vst v63  }
0x3d: {  	_ =	swait.ge [sflag:s30], $0x4000  }
0x3e: {  	[sflag:s30] =	ssyncset.done $0x0  }
0x3f: {  	s20 =	simm.s32 $0x400;
	[sflag:s30] =	ssyncadd.s32 $0xFFFFC000  }
0x40: {  	[tilespmem:s19], [sflag:$0x4] =	stream.indirect.gather [hbm4b:s2+s13], $0x80, s20, s13, $0xb8;
	[tilespmem:$0x1A400] =	vst v63  }
0x41: {  	_ =	swait.ge [sflag:s31], $0x4000  }
0x42: {  	[sflag:s31] =	ssyncset.done $0x0  }
0x43: {  	[sflag:s31] =	ssyncadd.s32 $0xFFFFC000  }
0x44: {  	[hbm4b:s11+s3] =	stream.linear.scatter [tilespmem:s21], [sflag:$0xA], $0x4000, $0x38;
	[tilespmem:$0x1A400] =	vst v63  }
0x45: {  	_ =	swait.ge [sflag:s1], $0x4000  }
0x46: {  	s16 =	simm.s32 $0xA00;
	[sflag:s1] =	ssyncset.done $0x0  }
0x47: {  	s18 =	sadd.s32 $0x2800, s11;
	s20 =	simm.s32 $0x480;
	[sflag:s1] =	ssyncadd.s32 $0xFFFFC000  }
.LBB2_2:
0x48: {  	[tilespmem:s21], [sflag:$0x5] =	stream.indirect.gather [hbm4b:s2+s13], $0x80, s20, s13, $0xb8;
	[tilespmem:$0x1A400] =	vst v63  }
0x49: {  	s20 =	smov.u32 s16  }
0x4a: {  	p0 =	sne.s32 s16, $0x17C00;
	s16 =	sadd.s32 $0xA00, s16;
	_ =	swait.ge [sflag:s22], $0x4000  }
0x4b: {  	[sflag:s22] =	ssyncset.done $0x0  }
0x4c: {  	s4 =	sadd.s32 $0xFFFFE000, s18;
	[sflag:s22] =	ssyncadd.s32 $0xFFFFC000  }
0x4d: {  	[hbm4b:s4+s3] =	stream.linear.scatter [tilespmem:s14], [sflag:$0x6], $0x4000, $0x38;
	[tilespmem:$0x1A400] =	vst v63  }
0x4e: {  	_ =	swait.ge [sflag:s23], $0x4000  }
0x4f: {  	s20 =	sshra.s32 s20, $0x2;
	[sflag:s23] =	ssyncset.done $0x0  }
0x50: {  	s4 =	sadd.s32 $0x280, s20;
	[sflag:s23] =	ssyncadd.s32 $0xFFFFC000  }
0x51: {  	[tilespmem:s14], [sflag:$0x1] =	stream.indirect.gather [hbm4b:s2+s13], $0x80, s4, s13, $0xb8;
	[tilespmem:$0x1A400] =	vst v63  }
0x52: {  	_ =	swait.ge [sflag:s24], $0x4000  }
0x53: {  	[sflag:s24] =	ssyncset.done $0x0  }
0x54: {  	s4 =	sadd.s32 $0xFFFFE800, s18;
	[sflag:s24] =	ssyncadd.s32 $0xFFFFC000  }
0x55: {  	[hbm4b:s4+s3] =	stream.linear.scatter [tilespmem:s15], [sflag:$0x7], $0x4000, $0x38;
	[tilespmem:$0x1A400] =	vst v63  }
0x56: {  	_ =	swait.ge [sflag:s25], $0x4000  }
0x57: {  	[sflag:s25] =	ssyncset.done $0x0  }
0x58: {  	s4 =	sadd.s32 $0x300, s20;
	[sflag:s25] =	ssyncadd.s32 $0xFFFFC000  }
0x59: {  	[tilespmem:s15], [sflag:$0x2] =	stream.indirect.gather [hbm4b:s2+s13], $0x80, s4, s13, $0xb8;
	[tilespmem:$0x1A400] =	vst v63  }
0x5a: {  	_ =	swait.ge [sflag:s26], $0x4000  }
0x5b: {  	[sflag:s26] =	ssyncset.done $0x0  }
0x5c: {  	s4 =	sadd.s32 $0xFFFFF000, s18;
	[sflag:s26] =	ssyncadd.s32 $0xFFFFC000  }
0x5d: {  	[hbm4b:s4+s3] =	stream.linear.scatter [tilespmem:s17], [sflag:$0x8], $0x4000, $0x38;
	[tilespmem:$0x1A400] =	vst v63  }
0x5e: {  	_ =	swait.ge [sflag:s28], $0x4000  }
0x5f: {  	[sflag:s28] =	ssyncset.done $0x0  }
0x60: {  	s4 =	sadd.s32 $0x380, s20;
	[sflag:s28] =	ssyncadd.s32 $0xFFFFC000  }
0x61: {  	[tilespmem:s17], [sflag:$0x3] =	stream.indirect.gather [hbm4b:s2+s13], $0x80, s4, s13, $0xb8;
	[tilespmem:$0x1A400] =	vst v63  }
0x62: {  	_ =	swait.ge [sflag:s29], $0x4000  }
0x63: {  	[sflag:s29] =	ssyncset.done $0x0  }
0x64: {  	s4 =	sadd.s32 $0xFFFFF800, s18;
	[sflag:s29] =	ssyncadd.s32 $0xFFFFC000  }
0x65: {  	[hbm4b:s4+s3] =	stream.linear.scatter [tilespmem:s19], [sflag:$0x9], $0x4000, $0x38;
	[tilespmem:$0x1A400] =	vst v63  }
0x66: {  	_ =	swait.ge [sflag:s30], $0x4000  }
0x67: {  	[sflag:s30] =	ssyncset.done $0x0  }
0x68: {  	s4 =	sadd.s32 $0x400, s20;
	[sflag:s30] =	ssyncadd.s32 $0xFFFFC000  }
0x69: {  	[tilespmem:s19], [sflag:$0x4] =	stream.indirect.gather [hbm4b:s2+s13], $0x80, s4, s13, $0xb8;
	[tilespmem:$0x1A400] =	vst v63  }
0x6a: {  	_ =	swait.ge [sflag:s31], $0x4000  }
0x6b: {  	[sflag:s31] =	ssyncset.done $0x0  }
.Ltmp0:
0x6c: {  	[sflag:s31] =	ssyncadd.s32 $0xFFFFC000;
	(pc) =	sbr.rel @p0 .LBB2_2-.Ltmp0, $4  }
0x6d: {  	[hbm4b:s18+s3] =	stream.linear.scatter [tilespmem:s21], [sflag:$0xA], $0x4000, $0x38;
	[tilespmem:$0x1A400] =	vst v63  }
0x6e: {  	_ =	swait.ge [sflag:s1], $0x4000  }
0x6f: {  	[sflag:s1] =	ssyncset.done $0x0  }
0x70: {  	s20 =	sadd.s32 $0x480, s20;
	s18 =	sadd.s32 $0x2800, s18;
	[sflag:s1] =	ssyncadd.s32 $0xFFFFC000  }
0x71: {  	[tilespmem:s21], [sflag:$0x5] =	stream.indirect.gather [hbm4b:s2+s13], $0x80, s20, s13, $0xb8;
	[tilespmem:$0x1A400] =	vst v63  }
0x72: {  	_ =	swait.ge [sflag:s22], $0x4000  }
0x73: {  	[sflag:s22] =	ssyncset.done $0x0  }
0x74: {  	[sflag:s22] =	ssyncadd.s32 $0xFFFFC000  }
0x75: {  	[hbm4b:s5+s3] =	stream.linear.scatter [tilespmem:s14], [sflag:$0x6], $0x4000, $0x38;
	[tilespmem:$0x1A400] =	vst v63  }
0x76: {  	_ =	swait.ge [sflag:s23], $0x4000  }
0x77: {  	[sflag:s23] =	ssyncset.done $0x0  }
0x78: {  	[sflag:s23] =	ssyncadd.s32 $0xFFFFC000  }
0x79: {  	_ =	swait.ge [sflag:s24], $0x4000  }
0x7a: {  	[sflag:s24] =	ssyncset.done $0x0  }
0x7b: {  	[sflag:s24] =	ssyncadd.s32 $0xFFFFC000  }
0x7c: {  	[hbm4b:s6+s3] =	stream.linear.scatter [tilespmem:s15], [sflag:$0x7], $0x4000, $0x38;
	[tilespmem:$0x1A400] =	vst v63  }
0x7d: {  	_ =	swait.ge [sflag:s25], $0x4000  }
0x7e: {  	[sflag:s25] =	ssyncset.done $0x0  }
0x7f: {  	[sflag:s25] =	ssyncadd.s32 $0xFFFFC000  }
0x80: {  	_ =	swait.ge [sflag:s26], $0x4000  }
0x81: {  	[sflag:s26] =	ssyncset.done $0x0  }
0x82: {  	[sflag:s26] =	ssyncadd.s32 $0xFFFFC000  }
0x83: {  	[hbm4b:s7+s3] =	stream.linear.scatter [tilespmem:s17], [sflag:$0x8], $0x4000, $0x38;
	[tilespmem:$0x1A400] =	vst v63  }
0x84: {  	_ =	swait.ge [sflag:s28], $0x4000  }
0x85: {  	[sflag:s28] =	ssyncset.done $0x0  }
0x86: {  	[sflag:s28] =	ssyncadd.s32 $0xFFFFC000  }
0x87: {  	_ =	swait.ge [sflag:s29], $0x4000  }
0x88: {  	[sflag:s29] =	ssyncset.done $0x0  }
0x89: {  	[sflag:s29] =	ssyncadd.s32 $0xFFFFC000  }
0x8a: {  	[hbm4b:s8+s3] =	stream.linear.scatter [tilespmem:s19], [sflag:$0x9], $0x4000, $0x38;
	[tilespmem:$0x1A400] =	vst v63  }
0x8b: {  	_ =	swait.ge [sflag:s30], $0x4000  }
0x8c: {  	[sflag:s30] =	ssyncset.done $0x0  }
0x8d: {  	[sflag:s30] =	ssyncadd.s32 $0xFFFFC000  }
0x8e: {  	s0 =	sadd.s32 $0x1, s0;
	_ =	swait.ge [sflag:s31], $0x4000  }
0x8f: {  	p0 =	sne.s32 s0, s10;
	[sflag:s31] =	ssyncset.done $0x0  }
.Ltmp1:
0x90: {  	[sflag:s31] =	ssyncadd.s32 $0xFFFFC000;
	(pc) =	sbr.rel @p0 .LBB2_1-.Ltmp1, $4  }
0x91: {  	[hbm4b:s9+s3] =	stream.linear.scatter [tilespmem:s21], [sflag:$0xA], $0x4000, $0x38;
	[tilespmem:$0x1A400] =	vst v63  }
0x92: {  	_ =	swait.ge [sflag:s1], $0x4000  }
0x93: {  	[sflag:s1] =	ssyncset.done $0x0  }
0x94: {  	[sflag:s1] =	ssyncadd.s32 $0xFFFFC000  }
0x95: {  	_ =	sfence.sel $0x180000  }
0x96: {  	[bflag:$0x0] =	sbarrier.arrive $0xFFFF  }
0x97: {  	_ =	strace $0x90000047  }
0x98: {  	s0 =	stileid.u32;
	[bflag:$0x2] =	sbarrier.arrive $0xFFFF  }
0x99: {  	p0 =	sne.s32 s0, $0x0;
	s0 =	rddreg [dreg:$0x3]  }
0x9a: {  	s0 =	sadd.s32 @!p0 $0x100000, s0  }
0x9b: {  	[sflag:s0] =	ssyncadd.tile.s32 @!p0 $0x1;
	_ =	shalt  }
.Lfunc_end2:
_tile_overlayer_lowered:
.L_overlay_start_2:
0x9c: {  	(tag) =	ssettag $0x2  }
0x9d: {  	s0 =	rddreg [dreg:$0x0];
	s2 =	stileid.u32  }
0x9e: {  	s1 =	rddreg [dreg:$0x1];
	p0 =	sne.s32 s2, $0x0  }
0x9f: {  	s3 =	rddreg [dreg:$0x2];
	[bflag:$0x3] =	sbarrier.arrive $0xFFFF;
	s2 =	simm.s32 @!p0 $0x1C0B  }
0xa0: {  	[timem:s3], [sflag:s2] =	dma.local @!p0 [hbm:s0], s1  }
0xa1: {  	s0 =	simm.s32 @!p0 $0xB  }
0xa2: {  	_ =	swait.ge @!p0 [sflag:s0], s1  }
0xa3: {  	s1 =	ssub.s32 @!p0 $0x0, s1;
	[sflag:s0] =	ssyncset.done @!p0 $0x0  }
0xa4: {  	[sflag:s0] =	ssyncadd.s32 @!p0 s1  }
0xa5: {  	[bflag:$0x3] =	sbarrier.arrive $0xFFFF  }
0xa6: {  	_ =	shalt  }

</sc_bundles>
